<compile_context>
chip_gen: v7x
topology: tpu7x:2x2x1
jax: 0.10.2.dev20260603
libtpu: 0.0.44.dev20260713+nightly
codegen_flags: <defaults>
</compile_context>

<pallas_src>
import functools

import jax
import jax.numpy as jnp
from jax import lax
from jax.experimental import pallas as pl
from jax.experimental.pallas import tpu as pltpu
from jax.experimental.pallas import tpu_sc as plsc

VOCAB = 1000000
BOTTLENECK = 32
HIDDEN = 128
B, L = 4096, 200
N = B * L

NC, NS = 2, 16
NW = NC * NS
ROWS_PER_W = N // NW
IDX_W = 128
IDX_ROWS_PER_W = ROWS_PER_W // IDX_W

NSLOT = 6
LAG = 4
BUFROWS = IDX_W
N_STEPS = IDX_ROWS_PER_W


def _tc_expand(tT, Wt):
    BN = 8192
    grid = (VOCAB + BN - 1) // BN

    def body(t_ref, w_ref, o_ref):
        o_ref[...] = lax.dot_general(
            t_ref[...].astype(jnp.bfloat16), w_ref[...],
            dimension_numbers=(((0,), (0,)), ((), ())),
            preferred_element_type=jnp.float32,
        )

    return pl.pallas_call(
        body,
        grid=(grid,),
        in_specs=[
            pl.BlockSpec((BOTTLENECK, BN), lambda i: (0, i)),
            pl.BlockSpec((BOTTLENECK, HIDDEN), lambda i: (0, 0)),
        ],
        out_specs=pl.BlockSpec((BN, HIDDEN), lambda i: (i, 0)),
        out_shape=jax.ShapeDtypeStruct((VOCAB, HIDDEN), jnp.float32),
    )(tT, Wt)


def _sc_gather(expanded, idx2d):
    mesh = plsc.VectorSubcoreMesh(core_axis_name="c", subcore_axis_name="s")

    @functools.partial(
        pl.kernel,
        mesh=mesh,
        compiler_params=pltpu.CompilerParams(use_tc_tiling_on_sc=False),
        out_type=jax.ShapeDtypeStruct((N, HIDDEN), jnp.float32),
        scratch_types=[
            pltpu.VMEM((IDX_ROWS_PER_W, IDX_W), jnp.int32),
            pltpu.VMEM((NSLOT * BUFROWS, HIDDEN), jnp.float32),
            pltpu.SemaphoreType.DMA,
            pltpu.SemaphoreType.DMA,
        ],
    )
    def k(table_hbm, idx_hbm, out_hbm, idx_v, rows_v, gsem, wsem):
        wid = lax.axis_index("s") * NC + lax.axis_index("c")
        row0 = wid * ROWS_PER_W
        pltpu.sync_copy(
            idx_hbm.at[pl.ds(wid * IDX_ROWS_PER_W, IDX_ROWS_PER_W)], idx_v)

        def slot(i):
            return rows_v.at[pl.ds((i % NSLOT) * BUFROWS, BUFROWS)]

        def fire(i):
            pltpu.async_copy(table_hbm.at[idx_v.at[i]], slot(i), gsem)

        def wait_gather(i):
            pltpu.make_async_copy(table_hbm.at[idx_v.at[i]], slot(i),
                                  gsem).wait()

        def write(i):
            pltpu.async_copy(
                slot(i), out_hbm.at[pl.ds(row0 + i * BUFROWS, BUFROWS)],
                wsem)

        def drain_write(i):
            pltpu.make_async_copy(
                out_hbm.at[pl.ds(0, BUFROWS)], slot(i), wsem).wait()

        for j in range(LAG):
            fire(j)

        def body(i, carry):
            wait_gather(i)
            write(i)

            def _reuse(_):
                lax.cond(i >= NSLOT - LAG,
                         lambda __: (drain_write(i), 0)[1],
                         lambda __: 0, 0)
                fire(i + LAG)
                return 0

            lax.cond(i + LAG < N_STEPS, _reuse, lambda _: 0, 0)
            return carry

        lax.fori_loop(0, N_STEPS, body, 0)
        for j in range(NSLOT):
            drain_write(N_STEPS - NSLOT + j)

    return k(expanded, idx2d)


def kernel(input_ids, table, W):
    idx2d = input_ids.reshape(N // IDX_W, IDX_W).astype(jnp.int32)
    tT = table.T
    Wt = W.T.astype(jnp.bfloat16)
    expanded = _tc_expand(tT, Wt)
    out = _sc_gather(expanded, idx2d)
    return out.reshape(B, L, HIDDEN)

# --- scband reference (transcript-rebuilt; emitter-appended) ---
"""Pipeline reference for scband-factorized-embeddings-2997887172697 (READ-ONLY COPY).

The authoritative reference and input builder live on the scoring server;
editing this copy changes nothing except your own understanding.
"""

import jax, jax.numpy as jnp
import numpy as np

VOCAB = 1000000
BOTTLENECK = 32
HIDDEN = 128
PAD_TOKEN_ID = 0
B, L = 4096, 200


def setup_inputs(seed: int = 0) -> dict:
    key = jax.random.key(seed)
    k1, k2, k3 = jax.random.split(key, 3)
    input_ids = jax.random.randint(k1, (B, L), 0, VOCAB, dtype=jnp.int64 if jax.config.jax_enable_x64 else jnp.int32)
    table = jax.random.normal(k2, (VOCAB, BOTTLENECK), dtype=jnp.float32) * 0.02
    # padding_idx row is zero and receives no gradient semantics in torch
    table = table.at[PAD_TOKEN_ID].set(0.0)
    # nn.Linear(in=BOTTLENECK, out=HIDDEN, bias=False): weight shape [HIDDEN, BOTTLENECK]
    W = jax.random.normal(k3, (HIDDEN, BOTTLENECK), dtype=jnp.float32) * (1.0 / np.sqrt(BOTTLENECK))
    return {"input_ids": input_ids, "table": table, "W": W}


def reference(input_ids, table, W):
    # embedding lookup (gather rows)
    compressed = jnp.take(table, input_ids, axis=0)           # [B, L, BOTTLENECK]
    # linear expansion, no bias: x @ W^T
    expanded = jnp.einsum('blc,hc->blh', compressed, W)        # [B, L, HIDDEN]
    return expanded

if __name__ == "__main__":
    import jax
    _d = setup_inputs()
    print(jax.jit(kernel)(*tuple(_d.values())))

</pallas_src>

<mosaic_0001>
#map = affine_map<(d0, d1) -> (0, 0)>
module attributes {stable_mosaic.version = 14 : i64} {
  func.func @k(%arg0: i32, %arg1: i32, %arg2: memref<1000000x128xf32, #tpu.memory_space<hbm>>, %arg3: memref<6400x128xi32, #tpu.memory_space<hbm>>, %arg4: memref<819200x128xf32, #tpu.memory_space<hbm>>, %arg5: memref<200x128xi32, #tpu.memory_space<vmem>>, %arg6: memref<768x128xf32, #tpu.memory_space<vmem>>, %arg7: memref<!tpu.dma_semaphore, #tpu.memory_space<semaphore_mem>>, %arg8: memref<!tpu.dma_semaphore, #tpu.memory_space<semaphore_mem>>) attributes {dimension_semantics = [#tpu.dimension_semantics<core_parallel>, #tpu.dimension_semantics<subcore_parallel>], iteration_bounds = array<i64: 2, 16>, scalar_prefetch = 0 : i64, scratch_operands = 4 : i64, tpu.core_type = #tpu.core_type<sc_vector_subcore>, window_params = [{transform_indices = #map}, {transform_indices = #map}, {transform_indices = #map}]} {
    %mul3A = arith.constant 2 : i32
    %mul3A_0 = arith.muli %arg1, %mul3A : i32
    %add3A = arith.addi %mul3A_0, %arg0 : i32
    %mul3A_1 = arith.constant 25600 : i32
    %mul3A_2 = arith.muli %add3A, %mul3A_1 : i32
    %mul3A_3 = arith.constant 200 : i32
    %mul3A_4 = arith.muli %add3A, %mul3A_3 : i32
    "tpu.region"() ({
      %run_scoped3A = tpu.sem_alloc : memref<!tpu.dma_semaphore, #tpu.memory_space<semaphore_mem>>
      %dma_start3A_120 = arith.constant 0 : i32
      %dma_start3A_121 = tpu.memref_slice %arg3[%mul3A_4, %dma_start3A_120] : memref<6400x128xi32, #tpu.memory_space<hbm>> -> memref<200x128xi32, #tpu.memory_space<hbm>>
      %dma_start3A_122 = arith.constant 0 : i32
      %dma_start3A_123 = tpu.memref_slice %arg3[%mul3A_4, %dma_start3A_122] : memref<6400x128xi32, #tpu.memory_space<hbm>> -> memref<200x128xi32, #tpu.memory_space<hbm>>
      tpu.enqueue_dma source(%dma_start3A_123 : memref<200x128xi32, #tpu.memory_space<hbm>>) target(%arg5 : memref<200x128xi32, #tpu.memory_space<vmem>>) target_semaphore(%run_scoped3A : memref<!tpu.dma_semaphore, #tpu.memory_space<semaphore_mem>>)
      %dma_wait3A_124 = arith.constant 0 : i32
      %dma_wait3A_125 = tpu.memref_slice %arg3[%mul3A_4, %dma_wait3A_124] : memref<6400x128xi32, #tpu.memory_space<hbm>> -> memref<200x128xi32, #tpu.memory_space<hbm>>
      %dma_wait3A_126 = arith.constant 0 : i32
      %dma_wait3A_127 = tpu.memref_slice %arg3[%mul3A_4, %dma_wait3A_126] : memref<6400x128xi32, #tpu.memory_space<hbm>> -> memref<200x128xi32, #tpu.memory_space<hbm>>
      tpu.wait_dma2 semaphore(%run_scoped3A : memref<!tpu.dma_semaphore, #tpu.memory_space<semaphore_mem>>) src(%dma_wait3A_127 : memref<200x128xi32, #tpu.memory_space<hbm>>) dst(%arg5 : memref<200x128xi32, #tpu.memory_space<vmem>>)
      tpu.yield
    }) : () -> ()
    %dma_start3A = arith.constant 0 : i32
    %dma_start3A_5 = arith.constant 0 : i32
    %dma_start3A_6 = arith.constant 0 : i32
    %dma_start3A_7 = tpu.memref_slice %arg6[%dma_start3A_5, %dma_start3A_6] : memref<768x128xf32, #tpu.memory_space<vmem>> -> memref<128x128xf32, #tpu.memory_space<vmem>>
    %dma_start3A_8 = arith.constant 0 : i32
    %dma_start3A_9 = tpu.memref_slice %arg5[%dma_start3A, %dma_start3A_8] : memref<200x128xi32, #tpu.memory_space<vmem>> -> memref<1x128xi32, #tpu.memory_space<vmem>>
    %dma_start3A_10 = tpu.memref_squeeze %dma_start3A_9 : memref<1x128xi32, #tpu.memory_space<vmem>> -> memref<128xi32, #tpu.memory_space<vmem>>
    %dma_start3A_11 = arith.constant 0 : i32
    %dma_start3A_12 = arith.constant 0 : i32
    %dma_start3A_13 = tpu.memref_slice %arg2[%dma_start3A_11, %dma_start3A_12] : memref<1000000x128xf32, #tpu.memory_space<hbm>> -> memref<1000000x128xf32, #tpu.memory_space<hbm>>
    tpu.enqueue_indirect_dma source(%dma_start3A_13 : memref<1000000x128xf32, #tpu.memory_space<hbm>>) target(%dma_start3A_7 : memref<128x128xf32, #tpu.memory_space<vmem>>) offsets(%dma_start3A_10 : memref<128xi32, #tpu.memory_space<vmem>>) semaphore(%arg7 : memref<!tpu.dma_semaphore, #tpu.memory_space<semaphore_mem>>)
    %dma_start3A_14 = arith.constant 1 : i32
    %dma_start3A_15 = arith.constant 128 : i32
    %dma_start3A_16 = arith.constant 0 : i32
    %dma_start3A_17 = tpu.memref_slice %arg6[%dma_start3A_15, %dma_start3A_16] : memref<768x128xf32, #tpu.memory_space<vmem>> -> memref<128x128xf32, #tpu.memory_space<vmem>>
    %dma_start3A_18 = arith.constant 0 : i32
    %dma_start3A_19 = tpu.memref_slice %arg5[%dma_start3A_14, %dma_start3A_18] : memref<200x128xi32, #tpu.memory_space<vmem>> -> memref<1x128xi32, #tpu.memory_space<vmem>>
    %dma_start3A_20 = tpu.memref_squeeze %dma_start3A_19 : memref<1x128xi32, #tpu.memory_space<vmem>> -> memref<128xi32, #tpu.memory_space<vmem>>
    %dma_start3A_21 = arith.constant 0 : i32
    %dma_start3A_22 = arith.constant 0 : i32
    %dma_start3A_23 = tpu.memref_slice %arg2[%dma_start3A_21, %dma_start3A_22] : memref<1000000x128xf32, #tpu.memory_space<hbm>> -> memref<1000000x128xf32, #tpu.memory_space<hbm>>
    tpu.enqueue_indirect_dma source(%dma_start3A_23 : memref<1000000x128xf32, #tpu.memory_space<hbm>>) target(%dma_start3A_17 : memref<128x128xf32, #tpu.memory_space<vmem>>) offsets(%dma_start3A_20 : memref<128xi32, #tpu.memory_space<vmem>>) semaphore(%arg7 : memref<!tpu.dma_semaphore, #tpu.memory_space<semaphore_mem>>)
    %dma_start3A_24 = arith.constant 2 : i32
    %dma_start3A_25 = arith.constant 256 : i32
    %dma_start3A_26 = arith.constant 0 : i32
    %dma_start3A_27 = tpu.memref_slice %arg6[%dma_start3A_25, %dma_start3A_26] : memref<768x128xf32, #tpu.memory_space<vmem>> -> memref<128x128xf32, #tpu.memory_space<vmem>>
    %dma_start3A_28 = arith.constant 0 : i32
    %dma_start3A_29 = tpu.memref_slice %arg5[%dma_start3A_24, %dma_start3A_28] : memref<200x128xi32, #tpu.memory_space<vmem>> -> memref<1x128xi32, #tpu.memory_space<vmem>>
    %dma_start3A_30 = tpu.memref_squeeze %dma_start3A_29 : memref<1x128xi32, #tpu.memory_space<vmem>> -> memref<128xi32, #tpu.memory_space<vmem>>
    %dma_start3A_31 = arith.constant 0 : i32
    %dma_start3A_32 = arith.constant 0 : i32
    %dma_start3A_33 = tpu.memref_slice %arg2[%dma_start3A_31, %dma_start3A_32] : memref<1000000x128xf32, #tpu.memory_space<hbm>> -> memref<1000000x128xf32, #tpu.memory_space<hbm>>
    tpu.enqueue_indirect_dma source(%dma_start3A_33 : memref<1000000x128xf32, #tpu.memory_space<hbm>>) target(%dma_start3A_27 : memref<128x128xf32, #tpu.memory_space<vmem>>) offsets(%dma_start3A_30 : memref<128xi32, #tpu.memory_space<vmem>>) semaphore(%arg7 : memref<!tpu.dma_semaphore, #tpu.memory_space<semaphore_mem>>)
    %dma_start3A_34 = arith.constant 3 : i32
    %dma_start3A_35 = arith.constant 384 : i32
    %dma_start3A_36 = arith.constant 0 : i32
    %dma_start3A_37 = tpu.memref_slice %arg6[%dma_start3A_35, %dma_start3A_36] : memref<768x128xf32, #tpu.memory_space<vmem>> -> memref<128x128xf32, #tpu.memory_space<vmem>>
    %dma_start3A_38 = arith.constant 0 : i32
    %dma_start3A_39 = tpu.memref_slice %arg5[%dma_start3A_34, %dma_start3A_38] : memref<200x128xi32, #tpu.memory_space<vmem>> -> memref<1x128xi32, #tpu.memory_space<vmem>>
    %dma_start3A_40 = tpu.memref_squeeze %dma_start3A_39 : memref<1x128xi32, #tpu.memory_space<vmem>> -> memref<128xi32, #tpu.memory_space<vmem>>
    %dma_start3A_41 = arith.constant 0 : i32
    %dma_start3A_42 = arith.constant 0 : i32
    %dma_start3A_43 = tpu.memref_slice %arg2[%dma_start3A_41, %dma_start3A_42] : memref<1000000x128xf32, #tpu.memory_space<hbm>> -> memref<1000000x128xf32, #tpu.memory_space<hbm>>
    tpu.enqueue_indirect_dma source(%dma_start3A_43 : memref<1000000x128xf32, #tpu.memory_space<hbm>>) target(%dma_start3A_37 : memref<128x128xf32, #tpu.memory_space<vmem>>) offsets(%dma_start3A_40 : memref<128xi32, #tpu.memory_space<vmem>>) semaphore(%arg7 : memref<!tpu.dma_semaphore, #tpu.memory_space<semaphore_mem>>)
    %scan3A = arith.constant 0 : i32
    %scan3A_44 = arith.constant 0 : i32
    %scan3A_45 = arith.constant 200 : i32
    %scan3A_46 = arith.addi %scan3A_44, %scan3A_45 : i32
    %scan3A_47 = arith.constant 1 : i32
    scf.for %scan3A_120 = %scan3A_44 to %scan3A_46 step %scan3A_47  : i32 {
      %jit3A = arith.constant 6 : i32
      %eq3A = arith.constant 0 : i32
      %eq3A_121 = arith.cmpi eq, %jit3A, %eq3A : i32
      %jit3A_122 = arith.constant 1 : i32
      %select_n3A = arith.select %eq3A_121, %jit3A_122, %jit3A : i32
      %rem3A = arith.remsi %scan3A_120, %select_n3A : i32
      %ne3A = arith.constant 0 : i32
      %ne3A_123 = arith.cmpi ne, %rem3A, %ne3A : i32
      %lt3A = arith.constant 0 : i32
      %lt3A_124 = arith.cmpi slt, %rem3A, %lt3A : i32
      %lt3A_125 = arith.constant 0 : i32
      %lt3A_126 = arith.cmpi slt, %select_n3A, %lt3A_125 : i32
      %ne3A_127 = arith.xori %lt3A_124, %lt3A_126 : i1
      %and3A = arith.andi %ne3A_127, %ne3A_123 : i1
      %add3A_128 = arith.addi %rem3A, %select_n3A : i32
      %select_n3A_129 = arith.select %and3A, %add3A_128, %rem3A : i32
      %mul3A_130 = arith.constant 128 : i32
      %mul3A_131 = arith.muli %select_n3A_129, %mul3A_130 : i32
      %dma_wait3A_132 = arith.constant 0 : i32
      %dma_wait3A_133 = tpu.memref_slice %arg6[%mul3A_131, %dma_wait3A_132] : memref<768x128xf32, #tpu.memory_space<vmem>> -> memref<128x128xf32, #tpu.memory_space<vmem>>
      %dma_wait3A_134 = arith.constant 0 : i32
      %dma_wait3A_135 = tpu.memref_slice %arg5[%scan3A_120, %dma_wait3A_134] : memref<200x128xi32, #tpu.memory_space<vmem>> -> memref<1x128xi32, #tpu.memory_space<vmem>>
      %dma_wait3A_136 = tpu.memref_squeeze %dma_wait3A_135 : memref<1x128xi32, #tpu.memory_space<vmem>> -> memref<128xi32, #tpu.memory_space<vmem>>
      %dma_wait3A_137 = arith.constant 0 : i32
      %dma_wait3A_138 = arith.constant 0 : i32
      %dma_wait3A_139 = tpu.memref_slice %arg2[%dma_wait3A_137, %dma_wait3A_138] : memref<1000000x128xf32, #tpu.memory_space<hbm>> -> memref<1000000x128xf32, #tpu.memory_space<hbm>>
      tpu.wait_indirect_dma semaphore(%arg7 : memref<!tpu.dma_semaphore, #tpu.memory_space<semaphore_mem>>) src(%dma_wait3A_139 : memref<1000000x128xf32, #tpu.memory_space<hbm>>) dst(%dma_wait3A_133 : memref<128x128xf32, #tpu.memory_space<vmem>>)
      %jit3A_140 = arith.constant 6 : i32
      %eq3A_141 = arith.constant 0 : i32
      %eq3A_142 = arith.cmpi eq, %jit3A_140, %eq3A_141 : i32
      %jit3A_143 = arith.constant 1 : i32
      %select_n3A_144 = arith.select %eq3A_142, %jit3A_143, %jit3A_140 : i32
      %rem3A_145 = arith.remsi %scan3A_120, %select_n3A_144 : i32
      %ne3A_146 = arith.constant 0 : i32
      %ne3A_147 = arith.cmpi ne, %rem3A_145, %ne3A_146 : i32
      %lt3A_148 = arith.constant 0 : i32
      %lt3A_149 = arith.cmpi slt, %rem3A_145, %lt3A_148 : i32
      %lt3A_150 = arith.constant 0 : i32
      %lt3A_151 = arith.cmpi slt, %select_n3A_144, %lt3A_150 : i32
      %ne3A_152 = arith.xori %lt3A_149, %lt3A_151 : i1
      %and3A_153 = arith.andi %ne3A_152, %ne3A_147 : i1
      %add3A_154 = arith.addi %rem3A_145, %select_n3A_144 : i32
      %select_n3A_155 = arith.select %and3A_153, %add3A_154, %rem3A_145 : i32
      %mul3A_156 = arith.constant 128 : i32
      %mul3A_157 = arith.muli %select_n3A_155, %mul3A_156 : i32
      %mul3A_158 = arith.constant 128 : i32
      %mul3A_159 = arith.muli %scan3A_120, %mul3A_158 : i32
      %add3A_160 = arith.addi %mul3A_2, %mul3A_159 : i32
      %dma_start3A_161 = arith.constant 0 : i32
      %dma_start3A_162 = tpu.memref_slice %arg6[%mul3A_157, %dma_start3A_161] : memref<768x128xf32, #tpu.memory_space<vmem>> -> memref<128x128xf32, #tpu.memory_space<vmem>>
      %dma_start3A_163 = arith.constant 0 : i32
      %dma_start3A_164 = tpu.memref_slice %arg4[%add3A_160, %dma_start3A_163] : memref<819200x128xf32, #tpu.memory_space<hbm>> -> memref<128x128xf32, #tpu.memory_space<hbm>>
      %dma_start3A_165 = arith.constant 0 : i32
      %dma_start3A_166 = tpu.memref_slice %arg4[%add3A_160, %dma_start3A_165] : memref<819200x128xf32, #tpu.memory_space<hbm>> -> memref<128x128xf32, #tpu.memory_space<hbm>>
      %dma_start3A_167 = arith.constant 0 : i32
      %dma_start3A_168 = tpu.memref_slice %arg6[%mul3A_157, %dma_start3A_167] : memref<768x128xf32, #tpu.memory_space<vmem>> -> memref<128x128xf32, #tpu.memory_space<vmem>>
      tpu.enqueue_dma source(%dma_start3A_168 : memref<128x128xf32, #tpu.memory_space<vmem>>) target(%dma_start3A_166 : memref<128x128xf32, #tpu.memory_space<hbm>>) target_semaphore(%arg8 : memref<!tpu.dma_semaphore, #tpu.memory_space<semaphore_mem>>)
      %add3A_169 = arith.constant 4 : i32
      %add3A_170 = arith.addi %scan3A_120, %add3A_169 : i32
      %lt3A_171 = arith.constant 200 : i32
      %lt3A_172 = arith.cmpi slt, %add3A_170, %lt3A_171 : i32
      %convert_element_type3A = arith.extui %lt3A_172 : i1 to i32
      %cond3A = arith.constant 0 : i32
      %cond3A_173 = arith.constant 0 : i32
      %cond3A_174 = arith.cmpi ne, %convert_element_type3A, %cond3A_173 : i32
      %cond3A_175 = scf.if %cond3A_174 -> (i32) {
        %ge3A = arith.constant 2 : i32
        %ge3A_176 = arith.cmpi sge, %scan3A_120, %ge3A : i32
        %convert_element_type3A_177 = arith.extui %ge3A_176 : i1 to i32
        %cond3A_178 = arith.constant 0 : i32
        %cond3A_179 = arith.constant 0 : i32
        %cond3A_180 = arith.cmpi ne, %convert_element_type3A_177, %cond3A_179 : i32
        %cond3A_181 = scf.if %cond3A_180 -> (i32) {
          %jit3A_211 = arith.constant 6 : i32
          %eq3A_212 = arith.constant 0 : i32
          %eq3A_213 = arith.cmpi eq, %jit3A_211, %eq3A_212 : i32
          %jit3A_214 = arith.constant 1 : i32
          %select_n3A_215 = arith.select %eq3A_213, %jit3A_214, %jit3A_211 : i32
          %rem3A_216 = arith.remsi %scan3A_120, %select_n3A_215 : i32
          %ne3A_217 = arith.constant 0 : i32
          %ne3A_218 = arith.cmpi ne, %rem3A_216, %ne3A_217 : i32
          %lt3A_219 = arith.constant 0 : i32
          %lt3A_220 = arith.cmpi slt, %rem3A_216, %lt3A_219 : i32
          %lt3A_221 = arith.constant 0 : i32
          %lt3A_222 = arith.cmpi slt, %select_n3A_215, %lt3A_221 : i32
          %ne3A_223 = arith.xori %lt3A_220, %lt3A_222 : i1
          %and3A_224 = arith.andi %ne3A_223, %ne3A_218 : i1
          %add3A_225 = arith.addi %rem3A_216, %select_n3A_215 : i32
          %select_n3A_226 = arith.select %and3A_224, %add3A_225, %rem3A_216 : i32
          %mul3A_227 = arith.constant 128 : i32
          %mul3A_228 = arith.muli %select_n3A_226, %mul3A_227 : i32
          %dma_wait3A_229 = arith.constant 0 : i32
          %dma_wait3A_230 = tpu.memref_slice %arg6[%mul3A_228, %dma_wait3A_229] : memref<768x128xf32, #tpu.memory_space<vmem>> -> memref<128x128xf32, #tpu.memory_space<vmem>>
          %dma_wait3A_231 = arith.constant 0 : i32
          %dma_wait3A_232 = arith.constant 0 : i32
          %dma_wait3A_233 = tpu.memref_slice %arg4[%dma_wait3A_231, %dma_wait3A_232] : memref<819200x128xf32, #tpu.memory_space<hbm>> -> memref<128x128xf32, #tpu.memory_space<hbm>>
          %dma_wait3A_234 = arith.constant 0 : i32
          %dma_wait3A_235 = tpu.memref_slice %arg6[%mul3A_228, %dma_wait3A_234] : memref<768x128xf32, #tpu.memory_space<vmem>> -> memref<128x128xf32, #tpu.memory_space<vmem>>
          %dma_wait3A_236 = arith.constant 0 : i32
          %dma_wait3A_237 = arith.constant 0 : i32
          %dma_wait3A_238 = tpu.memref_slice %arg4[%dma_wait3A_236, %dma_wait3A_237] : memref<819200x128xf32, #tpu.memory_space<hbm>> -> memref<128x128xf32, #tpu.memory_space<hbm>>
          tpu.wait_dma2 semaphore(%arg8 : memref<!tpu.dma_semaphore, #tpu.memory_space<semaphore_mem>>) src(%dma_wait3A_238 : memref<128x128xf32, #tpu.memory_space<hbm>>) dst(%dma_wait3A_235 : memref<128x128xf32, #tpu.memory_space<vmem>>)
          %cond3A_239 = arith.constant 0 : i32
          scf.yield %cond3A_239 : i32
        } else {
          %cond3A_211 = arith.constant 0 : i32
          scf.yield %cond3A_211 : i32
        }
        %add3A_182 = arith.constant 4 : i32
        %add3A_183 = arith.addi %scan3A_120, %add3A_182 : i32
        %jit3A_184 = arith.constant 6 : i32
        %eq3A_185 = arith.constant 0 : i32
        %eq3A_186 = arith.cmpi eq, %jit3A_184, %eq3A_185 : i32
        %jit3A_187 = arith.constant 1 : i32
        %select_n3A_188 = arith.select %eq3A_186, %jit3A_187, %jit3A_184 : i32
        %rem3A_189 = arith.remsi %add3A_183, %select_n3A_188 : i32
        %ne3A_190 = arith.constant 0 : i32
        %ne3A_191 = arith.cmpi ne, %rem3A_189, %ne3A_190 : i32
        %lt3A_192 = arith.constant 0 : i32
        %lt3A_193 = arith.cmpi slt, %rem3A_189, %lt3A_192 : i32
        %lt3A_194 = arith.constant 0 : i32
        %lt3A_195 = arith.cmpi slt, %select_n3A_188, %lt3A_194 : i32
        %ne3A_196 = arith.xori %lt3A_193, %lt3A_195 : i1
        %and3A_197 = arith.andi %ne3A_196, %ne3A_191 : i1
        %add3A_198 = arith.addi %rem3A_189, %select_n3A_188 : i32
        %select_n3A_199 = arith.select %and3A_197, %add3A_198, %rem3A_189 : i32
        %mul3A_200 = arith.constant 128 : i32
        %mul3A_201 = arith.muli %select_n3A_199, %mul3A_200 : i32
        %dma_start3A_202 = arith.constant 0 : i32
        %dma_start3A_203 = tpu.memref_slice %arg6[%mul3A_201, %dma_start3A_202] : memref<768x128xf32, #tpu.memory_space<vmem>> -> memref<128x128xf32, #tpu.memory_space<vmem>>
        %dma_start3A_204 = arith.constant 0 : i32
        %dma_start3A_205 = tpu.memref_slice %arg5[%add3A_183, %dma_start3A_204] : memref<200x128xi32, #tpu.memory_space<vmem>> -> memref<1x128xi32, #tpu.memory_space<vmem>>
        %dma_start3A_206 = tpu.memref_squeeze %dma_start3A_205 : memref<1x128xi32, #tpu.memory_space<vmem>> -> memref<128xi32, #tpu.memory_space<vmem>>
        %dma_start3A_207 = arith.constant 0 : i32
        %dma_start3A_208 = arith.constant 0 : i32
        %dma_start3A_209 = tpu.memref_slice %arg2[%dma_start3A_207, %dma_start3A_208] : memref<1000000x128xf32, #tpu.memory_space<hbm>> -> memref<1000000x128xf32, #tpu.memory_space<hbm>>
        tpu.enqueue_indirect_dma source(%dma_start3A_209 : memref<1000000x128xf32, #tpu.memory_space<hbm>>) target(%dma_start3A_203 : memref<128x128xf32, #tpu.memory_space<vmem>>) offsets(%dma_start3A_206 : memref<128xi32, #tpu.memory_space<vmem>>) semaphore(%arg7 : memref<!tpu.dma_semaphore, #tpu.memory_space<semaphore_mem>>)
        %cond3A_210 = arith.constant 0 : i32
        scf.yield %cond3A_210 : i32
      } else {
        %cond3A_176 = arith.constant 0 : i32
        scf.yield %cond3A_176 : i32
      }
    }
    %scan3A_48 = arith.constant 200 : i32
    %dma_wait3A = arith.constant 256 : i32
    %dma_wait3A_49 = arith.constant 0 : i32
    %dma_wait3A_50 = tpu.memref_slice %arg6[%dma_wait3A, %dma_wait3A_49] : memref<768x128xf32, #tpu.memory_space<vmem>> -> memref<128x128xf32, #tpu.memory_space<vmem>>
    %dma_wait3A_51 = arith.constant 0 : i32
    %dma_wait3A_52 = arith.constant 0 : i32
    %dma_wait3A_53 = tpu.memref_slice %arg4[%dma_wait3A_51, %dma_wait3A_52] : memref<819200x128xf32, #tpu.memory_space<hbm>> -> memref<128x128xf32, #tpu.memory_space<hbm>>
    %dma_wait3A_54 = arith.constant 256 : i32
    %dma_wait3A_55 = arith.constant 0 : i32
    %dma_wait3A_56 = tpu.memref_slice %arg6[%dma_wait3A_54, %dma_wait3A_55] : memref<768x128xf32, #tpu.memory_space<vmem>> -> memref<128x128xf32, #tpu.memory_space<vmem>>
    %dma_wait3A_57 = arith.constant 0 : i32
    %dma_wait3A_58 = arith.constant 0 : i32
    %dma_wait3A_59 = tpu.memref_slice %arg4[%dma_wait3A_57, %dma_wait3A_58] : memref<819200x128xf32, #tpu.memory_space<hbm>> -> memref<128x128xf32, #tpu.memory_space<hbm>>
    tpu.wait_dma2 semaphore(%arg8 : memref<!tpu.dma_semaphore, #tpu.memory_space<semaphore_mem>>) src(%dma_wait3A_59 : memref<128x128xf32, #tpu.memory_space<hbm>>) dst(%dma_wait3A_56 : memref<128x128xf32, #tpu.memory_space<vmem>>)
    %dma_wait3A_60 = arith.constant 384 : i32
    %dma_wait3A_61 = arith.constant 0 : i32
    %dma_wait3A_62 = tpu.memref_slice %arg6[%dma_wait3A_60, %dma_wait3A_61] : memref<768x128xf32, #tpu.memory_space<vmem>> -> memref<128x128xf32, #tpu.memory_space<vmem>>
    %dma_wait3A_63 = arith.constant 0 : i32
    %dma_wait3A_64 = arith.constant 0 : i32
    %dma_wait3A_65 = tpu.memref_slice %arg4[%dma_wait3A_63, %dma_wait3A_64] : memref<819200x128xf32, #tpu.memory_space<hbm>> -> memref<128x128xf32, #tpu.memory_space<hbm>>
    %dma_wait3A_66 = arith.constant 384 : i32
    %dma_wait3A_67 = arith.constant 0 : i32
    %dma_wait3A_68 = tpu.memref_slice %arg6[%dma_wait3A_66, %dma_wait3A_67] : memref<768x128xf32, #tpu.memory_space<vmem>> -> memref<128x128xf32, #tpu.memory_space<vmem>>
    %dma_wait3A_69 = arith.constant 0 : i32
    %dma_wait3A_70 = arith.constant 0 : i32
    %dma_wait3A_71 = tpu.memref_slice %arg4[%dma_wait3A_69, %dma_wait3A_70] : memref<819200x128xf32, #tpu.memory_space<hbm>> -> memref<128x128xf32, #tpu.memory_space<hbm>>
    tpu.wait_dma2 semaphore(%arg8 : memref<!tpu.dma_semaphore, #tpu.memory_space<semaphore_mem>>) src(%dma_wait3A_71 : memref<128x128xf32, #tpu.memory_space<hbm>>) dst(%dma_wait3A_68 : memref<128x128xf32, #tpu.memory_space<vmem>>)
    %dma_wait3A_72 = arith.constant 512 : i32
    %dma_wait3A_73 = arith.constant 0 : i32
    %dma_wait3A_74 = tpu.memref_slice %arg6[%dma_wait3A_72, %dma_wait3A_73] : memref<768x128xf32, #tpu.memory_space<vmem>> -> memref<128x128xf32, #tpu.memory_space<vmem>>
    %dma_wait3A_75 = arith.constant 0 : i32
    %dma_wait3A_76 = arith.constant 0 : i32
    %dma_wait3A_77 = tpu.memref_slice %arg4[%dma_wait3A_75, %dma_wait3A_76] : memref<819200x128xf32, #tpu.memory_space<hbm>> -> memref<128x128xf32, #tpu.memory_space<hbm>>
    %dma_wait3A_78 = arith.constant 512 : i32
    %dma_wait3A_79 = arith.constant 0 : i32
    %dma_wait3A_80 = tpu.memref_slice %arg6[%dma_wait3A_78, %dma_wait3A_79] : memref<768x128xf32, #tpu.memory_space<vmem>> -> memref<128x128xf32, #tpu.memory_space<vmem>>
    %dma_wait3A_81 = arith.constant 0 : i32
    %dma_wait3A_82 = arith.constant 0 : i32
    %dma_wait3A_83 = tpu.memref_slice %arg4[%dma_wait3A_81, %dma_wait3A_82] : memref<819200x128xf32, #tpu.memory_space<hbm>> -> memref<128x128xf32, #tpu.memory_space<hbm>>
    tpu.wait_dma2 semaphore(%arg8 : memref<!tpu.dma_semaphore, #tpu.memory_space<semaphore_mem>>) src(%dma_wait3A_83 : memref<128x128xf32, #tpu.memory_space<hbm>>) dst(%dma_wait3A_80 : memref<128x128xf32, #tpu.memory_space<vmem>>)
    %dma_wait3A_84 = arith.constant 640 : i32
    %dma_wait3A_85 = arith.constant 0 : i32
    %dma_wait3A_86 = tpu.memref_slice %arg6[%dma_wait3A_84, %dma_wait3A_85] : memref<768x128xf32, #tpu.memory_space<vmem>> -> memref<128x128xf32, #tpu.memory_space<vmem>>
    %dma_wait3A_87 = arith.constant 0 : i32
    %dma_wait3A_88 = arith.constant 0 : i32
    %dma_wait3A_89 = tpu.memref_slice %arg4[%dma_wait3A_87, %dma_wait3A_88] : memref<819200x128xf32, #tpu.memory_space<hbm>> -> memref<128x128xf32, #tpu.memory_space<hbm>>
    %dma_wait3A_90 = arith.constant 640 : i32
    %dma_wait3A_91 = arith.constant 0 : i32
    %dma_wait3A_92 = tpu.memref_slice %arg6[%dma_wait3A_90, %dma_wait3A_91] : memref<768x128xf32, #tpu.memory_space<vmem>> -> memref<128x128xf32, #tpu.memory_space<vmem>>
    %dma_wait3A_93 = arith.constant 0 : i32
    %dma_wait3A_94 = arith.constant 0 : i32
    %dma_wait3A_95 = tpu.memref_slice %arg4[%dma_wait3A_93, %dma_wait3A_94] : memref<819200x128xf32, #tpu.memory_space<hbm>> -> memref<128x128xf32, #tpu.memory_space<hbm>>
    tpu.wait_dma2 semaphore(%arg8 : memref<!tpu.dma_semaphore, #tpu.memory_space<semaphore_mem>>) src(%dma_wait3A_95 : memref<128x128xf32, #tpu.memory_space<hbm>>) dst(%dma_wait3A_92 : memref<128x128xf32, #tpu.memory_space<vmem>>)
    %dma_wait3A_96 = arith.constant 0 : i32
    %dma_wait3A_97 = arith.constant 0 : i32
    %dma_wait3A_98 = tpu.memref_slice %arg6[%dma_wait3A_96, %dma_wait3A_97] : memref<768x128xf32, #tpu.memory_space<vmem>> -> memref<128x128xf32, #tpu.memory_space<vmem>>
    %dma_wait3A_99 = arith.constant 0 : i32
    %dma_wait3A_100 = arith.constant 0 : i32
    %dma_wait3A_101 = tpu.memref_slice %arg4[%dma_wait3A_99, %dma_wait3A_100] : memref<819200x128xf32, #tpu.memory_space<hbm>> -> memref<128x128xf32, #tpu.memory_space<hbm>>
    %dma_wait3A_102 = arith.constant 0 : i32
    %dma_wait3A_103 = arith.constant 0 : i32
    %dma_wait3A_104 = tpu.memref_slice %arg6[%dma_wait3A_102, %dma_wait3A_103] : memref<768x128xf32, #tpu.memory_space<vmem>> -> memref<128x128xf32, #tpu.memory_space<vmem>>
    %dma_wait3A_105 = arith.constant 0 : i32
    %dma_wait3A_106 = arith.constant 0 : i32
    %dma_wait3A_107 = tpu.memref_slice %arg4[%dma_wait3A_105, %dma_wait3A_106] : memref<819200x128xf32, #tpu.memory_space<hbm>> -> memref<128x128xf32, #tpu.memory_space<hbm>>
    tpu.wait_dma2 semaphore(%arg8 : memref<!tpu.dma_semaphore, #tpu.memory_space<semaphore_mem>>) src(%dma_wait3A_107 : memref<128x128xf32, #tpu.memory_space<hbm>>) dst(%dma_wait3A_104 : memref<128x128xf32, #tpu.memory_space<vmem>>)
    %dma_wait3A_108 = arith.constant 128 : i32
    %dma_wait3A_109 = arith.constant 0 : i32
    %dma_wait3A_110 = tpu.memref_slice %arg6[%dma_wait3A_108, %dma_wait3A_109] : memref<768x128xf32, #tpu.memory_space<vmem>> -> memref<128x128xf32, #tpu.memory_space<vmem>>
    %dma_wait3A_111 = arith.constant 0 : i32
    %dma_wait3A_112 = arith.constant 0 : i32
    %dma_wait3A_113 = tpu.memref_slice %arg4[%dma_wait3A_111, %dma_wait3A_112] : memref<819200x128xf32, #tpu.memory_space<hbm>> -> memref<128x128xf32, #tpu.memory_space<hbm>>
    %dma_wait3A_114 = arith.constant 128 : i32
    %dma_wait3A_115 = arith.constant 0 : i32
    %dma_wait3A_116 = tpu.memref_slice %arg6[%dma_wait3A_114, %dma_wait3A_115] : memref<768x128xf32, #tpu.memory_space<vmem>> -> memref<128x128xf32, #tpu.memory_space<vmem>>
    %dma_wait3A_117 = arith.constant 0 : i32
    %dma_wait3A_118 = arith.constant 0 : i32
    %dma_wait3A_119 = tpu.memref_slice %arg4[%dma_wait3A_117, %dma_wait3A_118] : memref<819200x128xf32, #tpu.memory_space<hbm>> -> memref<128x128xf32, #tpu.memory_space<hbm>>
    tpu.wait_dma2 semaphore(%arg8 : memref<!tpu.dma_semaphore, #tpu.memory_space<semaphore_mem>>) src(%dma_wait3A_119 : memref<128x128xf32, #tpu.memory_space<hbm>>) dst(%dma_wait3A_116 : memref<128x128xf32, #tpu.memory_space<vmem>>)
    return
  }
}

module attributes {stable_mosaic.version = 14 : i64} {
  func.func @body(%arg0: i32, %arg1: memref<32x8192xf32, #tpu.memory_space<vmem>>, %arg2: memref<32x128xbf16, #tpu.memory_space<vmem>>, %arg3: memref<8192x128xf32, #tpu.memory_space<vmem>>) attributes {dimension_semantics = [#tpu.dimension_semantics<arbitrary>], iteration_bounds = array<i64: 123>, scalar_prefetch = 0 : i64, scratch_operands = 0 : i64, tpu.core_type = #tpu.core_type<tc>, window_params = [{transform_indices = @transform_0, window_bounds = array<i64: 32, 8192>}, {pipeline_mode = #tpu.pipeline_mode<synchronous>, transform_indices = @transform_1, window_bounds = array<i64: 32, 128>}, {transform_indices = @transform_2, window_bounds = array<i64: 8192, 128>}]} {
    %get3A = arith.constant 0 : index
    %get3A_0 = arith.constant 0 : index
    %get3A_1 = vector.load %arg1[%get3A, %get3A_0] : memref<32x8192xf32, #tpu.memory_space<vmem>>, vector<32x8192xf32>
    %convert_element_type3A = arith.truncf %get3A_1 : vector<32x8192xf32> to vector<32x8192xbf16>
    %get3A_2 = arith.constant 0 : index
    %get3A_3 = arith.constant 0 : index
    %get3A_4 = vector.load %arg2[%get3A_2, %get3A_3] : memref<32x128xbf16, #tpu.memory_space<vmem>>, vector<32x128xbf16>
    %dot_general3A = arith.constant dense<0.000000e+00> : vector<8192x128xf32>
    %dot_general3A_5 = tpu.matmul %convert_element_type3A, %get3A_4, %dot_general3A {dimension_numbers = #tpu.dot_dimension_numbers<[0], [0], [1], [1], [0, 1, 1, 1], [], []>, transpose_lhs_hint = false} : vector<32x8192xbf16>, vector<32x128xbf16>, vector<8192x128xf32> -> vector<8192x128xf32>
    %swap3A = arith.constant 0 : index
    %swap3A_6 = arith.constant 0 : index
    %swap3A_7 = vector.load %arg3[%swap3A, %swap3A_6] : memref<8192x128xf32, #tpu.memory_space<vmem>>, vector<8192x128xf32>
    tpu.vector_store %arg3[%swap3A, %swap3A_6], %dot_general3A_5 {strides = array<i32>} : memref<8192x128xf32, #tpu.memory_space<vmem>>, vector<8192x128xf32>,
    return
  }
  func.func @transform_0(%arg0: i32) -> (i32, i32) {
    %c0_i32 = arith.constant 0 : i32
    %c0_i32_0 = arith.constant 0 : i32
    return %c0_i32, %arg0 : i32, i32
  }
  func.func @transform_1(%arg0: i32) -> (i32, i32) {
    %c0_i32 = arith.constant 0 : i32
    %c0_i32_0 = arith.constant 0 : i32
    %c0_i32_1 = arith.constant 0 : i32
    return %c0_i32, %c0_i32_0 : i32, i32
  }
  func.func @transform_2(%arg0: i32) -> (i32, i32) {
    %c0_i32 = arith.constant 0 : i32
    %c0_i32_0 = arith.constant 0 : i32
    return %arg0, %c0_i32 : i32, i32
  }
}

</mosaic_0001>

<sc_bundles>
// kernel: kernel.4.cloned.1.call-start
scs
__scs_entry_jumppad:
0x0: {  	(pc) =	sbr.rel $0x88, $3  }
0x1: {  	(tag) =	ssettag $0x0;
	lr =	simm.s32 $0x1  }
0x2: {  	[smem:$0x3F9E] =	sst lr;
	_ =	strace $0xD0000000  }
0x3: {  	_ = 	snop  }
0x4: {  	_ = 	snop  }
0x5: {  	_ = 	snop  }
0x6: {  	_ = 	snop  }
0x7: {  	_ = 	snop  }
__scs_overlays_trampoline_lowered:
0x8: {  	[smem:$0x3FAD] =	sst s0  }
0x9: {  	[smem:$0x3FAE] =	sst s1  }
0xa: {  	[smem:$0x3FAF] =	sst s2  }
0xb: {  	[smem:$0x3FB0] =	sst s3  }
0xc: {  	[smem:$0x3FB1] =	sst s4  }
0xd: {  	[smem:$0x3FB2] =	sst s5  }
0xe: {  	[smem:$0x3FB3] =	sst s6  }
0xf: {  	[smem:$0x3FB4] =	sst s7  }
0x10: {  	[smem:$0x3FB5] =	sst s8  }
0x11: {  	[smem:$0x3FB6] =	sst s9;
	s0 =	simm.s32 @!p0 $0x0  }
0x12: {  	s1 =	sld [smem:$0x3F9C];
	s0 =	simm.s32 @p0 $0x1  }
0x13: {  	[smem:$0x3FB7] =	sst s0;
	s0 =	simm.s32 @!p1 $0x0  }
0x14: {  	s2 =	sld [smem:$0x3F9B];
	s0 =	simm.s32 @p1 $0x1  }
0x15: {  	[smem:$0x3FB8] =	sst s0;
	s0 =	simm.s32 @!p2 $0x0  }
0x16: {  	s3 =	sld [smem:$0x3FDB];
	s0 =	simm.s32 @p2 $0x1  }
0x17: {  	s4 =	simm.s32 $0x1BF5;
	[smem:$0x3FBA] =	sst s0  }
0x18: {  	s0 =	sld [smem:$0x3F9D];
	_ =	swait.ge [sflag:s4], $0x0  }
0x19: {  	s7 =	sld [smem:$0x3F9E]  }
0x1a: {  	s8 =	sadd.s32 $0xFFFFE003, lr  }
0x1b: {  	s9 =	sadd.s32 $0xFFFFFEF7, lr;
	s5 =	simm.s32 $0xFFFFFFFF;
	p2 =	slt.u32 s8, $0xFFFFF086  }
0x1c: {  	p1 =	slt.u32 s9, $0xF7A;
	s5 =	simm.s32 @!p2 $0x0  }
0x1d: {  	s5 =	simm.s32 @p1 $0x1;
	p0 =	seq.s32 s7, s2  }
0x1e: {  	s7 =	smul.u32 @!p0 $0xF7A, s2;
	p2 =	seq.s32 @!p0 s5, $0x0  }
0x1f: {  	s9 =	smul.u32 $0xF7A, s1;
	s8 =	simm.s32 @!p0 $0x1BF5;
	p2 =	por !p2, p0  }
0x20: {  	[sflag:s8] =	ssyncset.s32 @!p0 $0xFFFFF086;
	s6 =	sadd.s32 @!p0 s3, s7;
	s7 =	simm.s32 @!p0 $0x108  }
0x21: {  	s3 =	sadd.s32 s3, s9;
	s6 =	sadd.s32 @!p0 $0x88, s6;
	s7 =	simm.s32 @p2 $0x1082  }
0x22: {  	[simem:s7], [sflag:s8] =	dma.local @!p0 [hbm:s6], $0xF7A  }
0x23: {  	s9 =	sor.u32 $0xD0000000, s2;
	s6 =	simm.s32 $0x108;
	_ =	swait.ge @!p0 [sflag:s8], $0x0  }
0x24: {  	s3 =	sadd.s32 $0x88, s3;
	s6 =	simm.s32 @!p1 $0x1082;
	[sflag:s4] =	ssyncset.s32 $0xFFFFF086  }
0x25: {  	[simem:s6], [sflag:s4] =	dma.local [hbm:s3], $0xF7A  }
0x26: {  	[smem:$0x3F9E] =	sst s1;
	(tag) =	ssettag s2;
	_ =	strace s9  }
0x27: {  	s1 =	sld [smem:$0x3FAE]  }
0x28: {  	s2 =	sld [smem:$0x3FAF]  }
0x29: {  	s4 =	sld [smem:$0x3FB1]  }
0x2a: {  	p0 =	seq.s32 s5, $0x0;
	s5 =	sld [smem:$0x3FB2]  }
0x2b: {  	s6 =	sld [smem:$0x3FB3]  }
0x2c: {  	s7 =	sld [smem:$0x3FB4]  }
0x2d: {  	s3 =	simm.s32 $0x108;
	s8 =	sld [smem:$0x3FB5]  }
0x2e: {  	s3 =	simm.s32 @!p0 $0x1082;
	s9 =	sld [smem:$0x3FB6]  }
0x2f: {  	lr =	sadd.s32 s0, s3;
	s0 =	sld [smem:$0x3FAD]  }
0x30: {  	s3 =	sld [smem:$0x3FB0]  }
0x31: {  	[smem:$0x3FB9] =	sst s10  }
0x32: {  	s10 =	sld [smem:$0x3FB7];
	_ =	sdelay $0x3  }
0x33: {  	p0 =	seq.s32 s10, $0x1;
	s10 =	sld [smem:$0x3FB9];
	_ =	sdelay $0x3  }
0x34: {  	[smem:$0x3FB9] =	sst s10  }
0x35: {  	s10 =	sld [smem:$0x3FB8];
	_ =	sdelay $0x3  }
0x36: {  	p1 =	seq.s32 s10, $0x1;
	s10 =	sld [smem:$0x3FB9];
	_ =	sdelay $0x3  }
0x37: {  	[smem:$0x3FB9] =	sst s10  }
0x38: {  	s10 =	sld [smem:$0x3FBA]  }
0x39: {  	_ = 	snop;
	(pc) =	sbr.ind lr, $3  }
0x3a: {  	_ = 	snop  }
0x3b: {  	_ = 	snop  }
0x3c: {  	p2 =	seq.s32 s10, $0x1;
	s10 =	sld [smem:$0x3FB9]  }
0x3d: {  	_ =	shalt  }
0x3e: {  	_ =	shalt  }
0x3f: {  	_ =	shalt  }
0x40: {  	_ =	shalt  }
0x41: {  	_ =	shalt  }
0x42: {  	_ =	shalt  }
0x43: {  	_ =	shalt  }
0x44: {  	_ =	shalt  }
0x45: {  	_ =	shalt  }
0x46: {  	_ =	shalt  }
0x47: {  	_ =	shalt  }
0x48: {  	_ =	shalt  }
0x49: {  	_ =	shalt  }
0x4a: {  	_ =	shalt  }
0x4b: {  	_ =	shalt  }
0x4c: {  	_ =	shalt  }
0x4d: {  	_ =	shalt  }
0x4e: {  	_ =	shalt  }
0x4f: {  	_ =	shalt  }
0x50: {  	_ =	shalt  }
0x51: {  	_ =	shalt  }
0x52: {  	_ =	shalt  }
0x53: {  	_ =	shalt  }
0x54: {  	_ =	shalt  }
0x55: {  	_ =	shalt  }
0x56: {  	_ =	shalt  }
0x57: {  	_ =	shalt  }
0x58: {  	_ =	shalt  }
0x59: {  	_ =	shalt  }
0x5a: {  	_ =	shalt  }
0x5b: {  	_ =	shalt  }
0x5c: {  	_ =	shalt  }
0x5d: {  	_ =	shalt  }
0x5e: {  	_ =	shalt  }
0x5f: {  	_ =	shalt  }
0x60: {  	_ =	shalt  }
0x61: {  	_ =	shalt  }
0x62: {  	_ =	shalt  }
0x63: {  	_ =	shalt  }
0x64: {  	_ =	shalt  }
0x65: {  	_ =	shalt  }
0x66: {  	_ =	shalt  }
0x67: {  	_ =	shalt  }
0x68: {  	_ =	shalt  }
0x69: {  	_ =	shalt  }
0x6a: {  	_ =	shalt  }
0x6b: {  	_ =	shalt  }
0x6c: {  	_ =	shalt  }
0x6d: {  	_ =	shalt  }
0x6e: {  	_ =	shalt  }
0x6f: {  	_ =	shalt  }
0x70: {  	_ =	shalt  }
0x71: {  	_ =	shalt  }
0x72: {  	_ =	shalt  }
0x73: {  	_ =	shalt  }
0x74: {  	_ =	shalt  }
0x75: {  	_ =	shalt  }
0x76: {  	_ =	shalt  }
0x77: {  	_ =	shalt  }
0x78: {  	_ =	shalt  }
0x79: {  	_ =	shalt  }
0x7a: {  	_ =	shalt  }
0x7b: {  	_ =	shalt  }
0x7c: {  	_ =	shalt  }
0x7d: {  	_ =	shalt  }
0x7e: {  	_ =	shalt  }
0x7f: {  	_ =	shalt  }
0x80: {  	_ =	shalt  }
0x81: {  	_ =	shalt  }
0x82: {  	_ =	shalt  }
0x83: {  	_ =	shalt  }
0x84: {  	_ =	shalt  }
0x85: {  	_ =	shalt  }
0x86: {  	_ =	shalt  }
0x87: {  	_ =	shalt  }
.Lfunc_end0:
.L_simem_size_0:
called_computation_lowered:
.L_overlay_start_0:
0x88: {  	s2 =	sld [smem:$0x3FD9]  }
0x89: {  	s3 =	sld [smem:$0x3FFE];
	_ =	sdelay $0x1  }
0x8a: {  	s1 =	srdreg.scid  }
0x8b: {  	s0 =	sand.u32 $0x1, s1  }
0x8c: {  	s17 =	sshll.u32 s0, $0xA;
	s2 =	sadd.s32 s3, s2  }
0x8d: {  	s2 =	sadd.s32 s2, s17  }
0x8e: {  	[smem:$0x3FC5] =	sst s2  }
0x8f: {  	_ = 	snop  }
0x90: {  	s2 =	sld [smem:$0x3FD0];
	(tm) =	ssettm $0x1  }
0x91: {  	s18 =	sld [smem:$0x3FFB];
	_ =	sdelay $0x3  }
0x92: {  	_ =	strace s18  }
0x93: {  	s3 =	sld [smem:$0x3FFC];
	_ =	sdelay $0x3  }
0x94: {  	_ =	strace s3  }
0x95: {  	s3 =	sld [smem:$0x3FFD];
	_ =	sdelay $0x3  }
0x96: {  	_ =	strace s3  }
0x97: {  	_ =	strace $0x8FFFFFFF  }
0x98: {  	s19 =	sld [smem:$0x3FDB];
	_ =	sdelay $0x1  }
0x99: {  	s4 =	simm.s32 $_scs_section_size  }
0x9a: {  	s5 =	simm.s32 $_size__tile_overlayer_lowered;
	s6 =	simm.s32 $_tile_overlayer_lowered  }
0x9b: {  	s22 =	simm.s32 $0x1BFF;
	s21 =	sshll.u32 s6, $0x1;
	s3 =	sadd.s32 s4, s19  }
0x9c: {  	s7 =	simm.s32 $0x0;
	s20 =	sshll.u32 s5, $0x1;
	s5 =	sadd.s32 s21, s3  }
0x9d: {  	[timem:s7], [sflag:s22] =	dma.local [hbm:s5], s20  }
0x9e: {  	_ =	swait.ge [sflag:s22], s20  }
0x9f: {  	s4 =	ssub.s32 $0x0, s20;
	[sflag:s22] =	ssyncset.done $0x0  }
0xa0: {  	[sflag:s22] =	ssyncadd.s32 s4;
	_ =	sdelay $0x1  }
0xa1: {  	s23 =	simm.s32 $0x1B8B  }
0xa2: {  	_ =	swait.ge [sflag:s23], $0x1  }
0xa3: {  	[sflag:s23] =	ssyncset.done $0x0  }
0xa4: {  	s25 =	simm.s32 $0x1B8E;
	s24 =	sld [smem:$0x3FFE];
	[sflag:s23] =	ssyncadd.s32 $0xFFFFFFFF  }
0xa5: {  	s26 =	simm.s32 $execute0_lowered;
	[smem:$0x3FD2] =	sst s25  }
0xa6: {  	s5 =	sshll.u32 s26, $0x1;
	_ =	strace $0x80000046;
	[dreg:$0x1] =	wrdreg $0xFFFFFFFF  }
0xa7: {  	s28 =	simm.s32 $_size_execute0_lowered;
	s3 =	sadd.s32 s3, s5;
	[dreg:$0x0] =	wrdreg $0x0  }
0xa8: {  	s5 =	sshll.u32 s28, $0x1;
	[dreg:$0x2] =	wrdreg s3  }
0xa9: {  	[dreg:$0x3] =	wrdreg s5  }
0xaa: {  	[dreg:$0x4] =	wrdreg $0xC0  }
0xab: {  	_ =	task [dreg:s7], $0x5FFFF  }
0xac: {  	[dreg:$0x1] =	wrdreg $0xFFFFFFFF  }
0xad: {  	[dreg:$0x0] =	wrdreg $0x60  }
0xae: {  	[dreg:$0x2] =	wrdreg s24  }
0xaf: {  	[dreg:$0x3] =	wrdreg s2  }
0xb0: {  	[dreg:$0x4] =	wrdreg $0x9  }
0xb1: {  	_ =	task.clear_ibuf [dreg:s7], $0x5FFFF;
	_ =	strace $0x90000046  }
0xb2: {  	s29 =	simm.s32 $0x9;
	_ =	strace $0x80000048  }
0xb3: {  	_ =	swait.ge [sflag:s29], $0x1  }
0xb4: {  	[sflag:s29] =	ssyncadd.s32 $0xFFFFFFFF  }
0xb5: {  	_ =	strace $0x90000048  }
0xb6: {  	_ =	sfence  }
0xb7: {  	s30 =	sld [smem:$0x0];
	_ =	sdelay $0x2  }
0xb8: {  	s31 =	sshll.u32 s1, $0xD;
	s1 =	sshrl.u32 s1, $0x2  }
0xb9: {  	s3 =	sand.u32 $0x4000, s31;
	s1 =	sadd.s32 s1, s30  }
0xba: {  	s0 =	sor.u32 s3, s0;
	s1 =	sshll.u32 s1, $0x11  }
0xbb: {  	s0 =	sor.u32 s1, s0  }
0xbc: {  	s0 =	sadd.s32 $0x8F2B, s0  }
0xbd: {  	[sflag:s0] =	ssyncadd.remote.s32 $0x1  }
0xbe: {  	_ =	sfence.sel $0xFFFF  }
0xbf: {  	[dreg:$0x0] =	wrdreg $0xFFFFFFFF;
	(pc) =	sbr.abs _section_cstart, $3  }
0xc0: {  	[dreg:$0x1] =	wrdreg $0xFFFFFFFF  }
0xc1: {  	_ =	task.clear_ibuf [dreg:s7], $0x2FFFF;
	_ =	strace $0x9FFFFFFF  }
0xc2: {  	(tm) =	ssettm $0x7FFFFFFF  }
0xc3: {  	_ =	shalt  }
tec
execute0_lowered:
.L_overlay_start_1:
0x0: {  	(tag) =	ssettag $0x1  }
0x1: {  	s1 =	srdreg.scid;
	s4 =	rddreg [dreg:$0x0]  }
0x2: {  	s0 =	stileid.u32;
	s6 =	rddreg [dreg:$0x1];
	s2 =	simm.s32 $0x0  }
0x3: {  	s11 =	simm.s32 $0x100;
	s12 =	simm.s32 $0xE400;
	s13 =	simm.s32 $0x180  }
0x4: {  	s14 =	simm.s32 $0x12400;
	s15 =	simm.s32 $0x1;
	s16 =	simm.s32 $0x2  }
0x5: {  	s17 =	simm.s32 $0x0;
	s3 =	sand.u32 $0x1, s1;
	s30 =	sshll.u32 s0, $0x1  }
0x6: {  	s7 =	smul.u32 $0x640000, s0;
	[smem:$0x7FF] =	sst s2;
	s1 =	sor.u32 s3, s30  }
0x7: {  	s8 =	ssub.s32 $0x2, s3;
	s9 =	smul.u32 $0x320000, s3;
	s3 =	sadd.s32 $0x19400, s4  }
0x8: {  	s5 =	smul.u32 $0xC80, s1;
	s1 =	rddreg [dreg:$0x2];
	s10 =	sshrl.u32 s8, $0x1  }
0x9: {  	_ =	strace $0x80000047;
	s31 =	ssub.s32 s8, s10;
	s7 =	sadd.s32 s9, s7  }
0xa: {  	s8 =	simm.s32 $0x80;
	s9 =	simm.s32 $0x6400;
	s10 =	simm.s32 $0xA400  }
0xb: {  	s4 =	sadd.s32 s5, s4;
	s5 =	smax.u32 s31, $0x1;
	s7 =	sshrl.u32 s7, $0x3  }
0xc: {  	s4 =	sadd.s32 $0x400, s4;
	s6 =	sadd.s32 s7, s6;
	s7 =	simm.s32 $0x3  }
.LBB2_1:
0xd: {  	[tilespmem:s2], [sflag:$0x3] =	stream.linear.gather [hbm4b:s4+s2], $0x6400, $0x38;
	[tilespmem:$0x1E400] =	vst v63  }
0xe: {  	s19 =	smul.u32 $0xAB, s2;
	_ =	swait.ge [sflag:s7], $0x6400  }
0xf: {  	s18 =	simm.s32 $0x1;
	s21 =	simm.s32 $0x4;
	[sflag:s7] =	ssyncset.done $0x0  }
0x10: {  	p0 =	por $0x0, $0x0;
	s19 =	sshrl.u32 s19, $0xA;
	[sflag:s7] =	ssyncadd.s32 $0xFFFF9C00  }
0x11: {  	[tilespmem:s9], [sflag:$0x1] =	stream.indirect.gather [hbm4b:s3+s8], $0x80, s2, s8, $0xb8;
	[tilespmem:$0x1E400] =	vst v63  }
0x12: {  	s23 =	simm.s32 $0x200;
	s20 =	smul.u32 $0xAB, s18;
	s19 =	sand.u32 $0x3F, s19  }
0x13: {  	[tilespmem:s10], [sflag:$0x1] =	stream.indirect.gather [hbm4b:s3+s8], $0x80, s8, s8, $0xb8;
	[tilespmem:$0x1E400] =	vst v63  }
0x14: {  	s22 =	simm.s32 $0x2;
	p1 =	por @!p0 $0x1, $0x1;
	s19 =	smul.u32 $0x6, s19  }
0x15: {  	[tilespmem:s12], [sflag:$0x1] =	stream.indirect.gather [hbm4b:s3+s8], $0x80, s11, s8, $0xb8;
	[tilespmem:$0x1E400] =	vst v63  }
0x16: {  	s21 =	smul.u32 @!p0 $0xAB, s21;
	p1 =	por p1, p0;
	s19 =	ssub.s32 $0x0, s19  }
0x17: {  	[tilespmem:s14], [sflag:$0x1] =	stream.indirect.gather [hbm4b:s3+s8], $0x80, s13, s8, $0xb8;
	[tilespmem:$0x1E400] =	vst v63  }
0x18: {  	s21 =	sshrl.u32 @!p0 s21, $0xA;
	s19 =	sand.u32 $0xFF, s19;
	_ =	swait.ge [sflag:s15], $0x4000  }
0x19: {  	s21 =	sand.u32 @!p0 $0x3F, s21;
	s19 =	sshll.u32 s19, $0xE;
	[sflag:s15] =	ssyncset.done $0x0  }
0x1a: {  	s21 =	smul.u32 @!p0 $0x6, s21;
	s19 =	sadd.s32 $0x6400, s19;
	[sflag:s15] =	ssyncadd.s32 $0xFFFFC000  }
0x1b: {  	[hbm4b:s6+s2] =	stream.linear.scatter [tilespmem:s19], [sflag:$0x2], $0x4000, $0x38;
	[tilespmem:$0x1E400] =	vst v63  }
0x1c: {  	s24 =	simm.s32 @!p0 $0x80;
	s25 =	simm.s32 @!p1 $0x2;
	s19 =	ssub.s32 @!p0 $0x4, s21  }
0x1d: {  	_ =	swait.ge @!p1 [sflag:s25], $0x4000;
	s21 =	sand.u32 @!p0 $0xFF, s19;
	s19 =	simm.s32 $0x280  }
0x1e: {  	[sflag:s25] =	ssyncset.done @!p1 $0x0;
	s26 =	sshll.u32 @!p0 s21, $0xE;
	s21 =	sadd.s32 $0x800, s6  }
.LBB2_2:
0x1f: {  	s28 =	smul.u32 $0xAB, s22  }
0x20: {  	[sflag:s25] =	ssyncadd.s32 @!p1 $0xFFFFC000;
	s25 =	sadd.s32 @!p0 $0x6400, s26;
	s26 =	smov.u32 s22  }
0x21: {  	[tilespmem:s25], [sflag:$0x1] =	stream.indirect.gather @!p0 [hbm4b:s3+s24], $0x80, s23, s24, $0xb8;
	[tilespmem:$0x1E400] =	vst v63  }
0x22: {  	s23 =	sshrl.u32 s20, $0xA  }
0x23: {  	s22 =	sadd.s32 $0x1, s22;
	s20 =	smov.u32 s28;
	s23 =	sand.u32 $0x3F, s23  }
0x24: {  	p0 =	sgt.u32 s18, $0xC3;
	s28 =	sadd.s32 $0x4, s18;
	s25 =	smul.u32 $0x6, s23  }
0x25: {  	p1 =	slt.u32 @!p0 s18, $0x2;
	s24 =	simm.s32 @!p0 $0x80;
	s29 =	smul.u32 @!p0 $0xAB, s28  }
0x26: {  	p2 =	sne.s32 s22, $0xC8;
	s23 =	smov.u32 s19;
	p1 =	por p1, p0  }
0x27: {  	s25 =	ssub.s32 s18, s25;
	s18 =	smov.u32 s26;
	s26 =	sshrl.u32 @!p0 s29, $0xA  }
0x28: {  	s25 =	sand.u32 $0xFF, s25;
	s26 =	sand.u32 @!p0 $0x3F, s26;
	_ =	swait.ge [sflag:s15], $0x4000  }
0x29: {  	s25 =	sshll.u32 s25, $0xE;
	s26 =	smul.u32 @!p0 $0x6, s26;
	[sflag:s15] =	ssyncset.done $0x0  }
.Ltmp0:
0x2a: {  	s25 =	sadd.s32 $0x6400, s25;
	[sflag:s15] =	ssyncadd.s32 $0xFFFFC000;
	(pc) =	sbr.rel @p2 .LBB2_2-.Ltmp0, $4  }
0x2b: {  	[hbm4b:s21+s2] =	stream.linear.scatter [tilespmem:s25], [sflag:$0x2], $0x4000, $0x38;
	[tilespmem:$0x1E400] =	vst v63  }
0x2c: {  	s26 =	ssub.s32 @!p0 s28, s26;
	s25 =	simm.s32 @!p1 $0x2  }
0x2d: {  	s19 =	sadd.s32 $0x80, s19;
	s26 =	sand.u32 @!p0 $0xFF, s26;
	_ =	swait.ge @!p1 [sflag:s25], $0x4000  }
0x2e: {  	s21 =	sadd.s32 $0x800, s21;
	s26 =	sshll.u32 @!p0 s26, $0xE;
	[sflag:s25] =	ssyncset.done @!p1 $0x0  }
0x2f: {  	[sflag:s25] =	ssyncadd.s32 @!p1 $0xFFFFC000;
	s22 =	sadd.s32 @!p0 $0x6400, s26;
	s20 =	sshrl.u32 s20, $0xA  }
0x30: {  	[tilespmem:s22], [sflag:$0x1] =	stream.indirect.gather @!p0 [hbm4b:s3+s24], $0x80, s23, s24, $0xb8;
	[tilespmem:$0x1E400] =	vst v63  }
0x31: {  	s20 =	sand.u32 $0x3F, s20  }
0x32: {  	s22 =	sadd.s32 $0x4, s18;
	p0 =	sgt.u32 s18, $0xC3;
	s20 =	smul.u32 $0x6, s20  }
0x33: {  	s23 =	smul.u32 @!p0 $0xAB, s22  }
0x34: {  	p1 =	slt.u32 @!p0 s18, $0x2;
	_ =	swait.ge [sflag:s15], $0x4000;
	s31 =	ssub.s32 s18, s20  }
0x35: {  	p1 =	por p1, p0;
	s20 =	sshrl.u32 @!p0 s23, $0xA;
	s18 =	sand.u32 $0xFF, s31  }
0x36: {  	[sflag:s15] =	ssyncset.done $0x0;
	s20 =	sand.u32 @!p0 $0x3F, s20;
	s18 =	sshll.u32 s18, $0xE  }
0x37: {  	[sflag:s15] =	ssyncadd.s32 $0xFFFFC000;
	s20 =	smul.u32 @!p0 $0x6, s20;
	s18 =	sadd.s32 $0x6400, s18  }
0x38: {  	[hbm4b:s21+s2] =	stream.linear.scatter [tilespmem:s18], [sflag:$0x2], $0x4000, $0x38;
	[tilespmem:$0x1E400] =	vst v63  }
0x39: {  	s18 =	simm.s32 @!p1 $0x2;
	s20 =	ssub.s32 @!p0 s22, s20  }
0x3a: {  	_ =	swait.ge @!p1 [sflag:s18], $0x4000;
	s20 =	sand.u32 @!p0 $0xFF, s20  }
0x3b: {  	[sflag:s18] =	ssyncset.done @!p1 $0x0;
	s20 =	sshll.u32 @!p0 s20, $0xE  }
0x3c: {  	s21 =	simm.s32 @!p0 $0x80;
	[sflag:s18] =	ssyncadd.s32 @!p1 $0xFFFFC000;
	s18 =	sadd.s32 @!p0 $0x6400, s20  }
0x3d: {  	[tilespmem:s18], [sflag:$0x1] =	stream.indirect.gather @!p0 [hbm4b:s3+s21], $0x80, s19, s21, $0xb8;
	[tilespmem:$0x1E400] =	vst v63  }
0x3e: {  	_ =	swait.ge [sflag:s16], $0x4000  }
0x3f: {  	[sflag:s16] =	ssyncset.done $0x0  }
0x40: {  	[sflag:s16] =	ssyncadd.s32 $0xFFFFC000  }
0x41: {  	_ =	swait.ge [sflag:s16], $0x4000  }
0x42: {  	[sflag:s16] =	ssyncset.done $0x0  }
0x43: {  	[sflag:s16] =	ssyncadd.s32 $0xFFFFC000  }
0x44: {  	_ =	swait.ge [sflag:s16], $0x4000  }
0x45: {  	[sflag:s16] =	ssyncset.done $0x0  }
0x46: {  	[sflag:s16] =	ssyncadd.s32 $0xFFFFC000  }
0x47: {  	_ =	swait.ge [sflag:s16], $0x4000  }
0x48: {  	[sflag:s16] =	ssyncset.done $0x0  }
0x49: {  	s17 =	sadd.s32 $0x1, s17;
	[sflag:s16] =	ssyncadd.s32 $0xFFFFC000  }
0x4a: {  	p0 =	sne.s32 s17, s5;
	_ =	swait.ge [sflag:s16], $0x4000  }
.Ltmp1:
0x4b: {  	[sflag:s16] =	ssyncset.done $0x0;
	(pc) =	sbr.rel @p0 .LBB2_1-.Ltmp1, $4  }
0x4c: {  	[sflag:s16] =	ssyncadd.s32 $0xFFFFC000  }
0x4d: {  	_ =	swait.ge [sflag:s16], $0x4000  }
0x4e: {  	[sflag:s16] =	ssyncset.done $0x0  }
0x4f: {  	[sflag:s16] =	ssyncadd.s32 $0xFFFFC000  }
0x50: {  	_ =	sfence.sel $0x180000  }
0x51: {  	[bflag:$0x0] =	sbarrier.arrive $0xFFFF  }
0x52: {  	p0 =	sne.s32 s0, $0x0;
	_ =	strace $0x90000047  }
0x53: {  	s0 =	sadd.s32 @!p0 $0x100000, s1;
	[bflag:$0x2] =	sbarrier.arrive $0xFFFF  }
0x54: {  	[sflag:s0] =	ssyncadd.tile.s32 @!p0 $0x1;
	_ =	shalt  }
.Lfunc_end2:
_tile_overlayer_lowered:
.L_overlay_start_2:
0x55: {  	(tag) =	ssettag $0x2  }
0x56: {  	s0 =	rddreg [dreg:$0x0];
	s2 =	stileid.u32  }
0x57: {  	s1 =	rddreg [dreg:$0x1];
	p0 =	sne.s32 s2, $0x0  }
0x58: {  	s3 =	rddreg [dreg:$0x2];
	[bflag:$0x3] =	sbarrier.arrive $0xFFFF;
	s2 =	simm.s32 @!p0 $0x1C03  }
0x59: {  	[timem:s3], [sflag:s2] =	dma.local @!p0 [hbm:s0], s1  }
0x5a: {  	s0 =	simm.s32 @!p0 $0x3  }
0x5b: {  	_ =	swait.ge @!p0 [sflag:s0], s1  }
0x5c: {  	s1 =	ssub.s32 @!p0 $0x0, s1;
	[sflag:s0] =	ssyncset.done @!p0 $0x0  }
0x5d: {  	[sflag:s0] =	ssyncadd.s32 @!p0 s1  }
0x5e: {  	[bflag:$0x3] =	sbarrier.arrive $0xFFFF  }
0x5f: {  	_ =	shalt  }

</sc_bundles>
